<compile_context>
chip_gen: v7x
topology: tpu7x:2x2x1
jax: 0.10.2.dev20260603
libtpu: 0.0.44.dev20260713+nightly
codegen_flags: <defaults>
</compile_context>

<pallas_src>
import functools

import jax
import jax.numpy as jnp
from jax import lax
from jax.experimental import pallas as pl
from jax.experimental.pallas import tpu as pltpu
from jax.experimental.pallas import tpu_sc as plsc

NN = 10000
NE = 160000
DF = 128
NW = 32
CH = NE // NW
FULL = CH // 16
TAIL = CH - FULL * 16
CHP = (FULL + 1) * 16

_P = jax.lax.Precision.HIGHEST


def _k2_body(e_ref, v_ref, wf_ref, wa_ref, b_ref, le_ref, p_ref, q_ref):
    a3 = wa_ref[:, 256:384]
    le_ref[...] = jnp.sum(e_ref[...] * a3, axis=1) + b_ref[0, 0]
    h = lax.dot_general(v_ref[...], wf_ref[...], (((1,), (1,)), ((), ())),
                        precision=_P, preferred_element_type=jnp.float32)
    p_ref[...] = jnp.sum(h * wa_ref[:, 0:128], axis=1)
    q_ref[...] = jnp.sum(h * wa_ref[:, 128:256], axis=1)


def _k4_body(v_ref, wf_ref, dp_ref, mv_ref, o_ref):
    mv = mv_ref[:, 0:1]
    scale = jnp.exp(mv - jnp.max(mv))
    d = jnp.sum(dp_ref[...] * scale, axis=0)
    h = lax.dot_general(v_ref[...], wf_ref[...], (((1,), (1,)), ((), ())),
                        precision=_P, preferred_element_type=jnp.float32)
    o_ref[...] = h * (d / (d + 1e-8))[:, None]


_sc_mesh = plsc.VectorSubcoreMesh(core_axis_name="c", subcore_axis_name="s")
_sc_params = pltpu.CompilerParams(needs_layout_passes=False)


@functools.partial(
    pl.kernel, mesh=_sc_mesh, compiler_params=_sc_params,
    out_type=[jax.ShapeDtypeStruct((NW, NN), jnp.float32),
              jax.ShapeDtypeStruct((NW, 16), jnp.float32)],
    scratch_types=[pltpu.VMEM((NN,), jnp.float32),
                   pltpu.VMEM((NN,), jnp.float32),
                   pltpu.VMEM((CHP,), jnp.int32),
                   pltpu.VMEM((CHP,), jnp.int32),
                   pltpu.VMEM((CHP,), jnp.float32),
                   pltpu.VMEM((CHP,), jnp.float32),
                   pltpu.VMEM((NN,), jnp.float32),
                   pltpu.VMEM((16,), jnp.float32)])
def _k3(p_hbm, q_hbm, s_hbm, r_hbm, le_hbm, dpart_hbm, mvec_hbm,
        p_v, q_v, s_v, r_v, le_v, lo_v, d_v, mx_v):
    wid = lax.axis_index("s") * 2 + lax.axis_index("c")
    base = wid * CH
    pltpu.sync_copy(p_hbm, p_v)
    pltpu.sync_copy(q_hbm, q_v)
    pltpu.sync_copy(s_hbm.at[pl.ds(base, CH)], s_v.at[pl.ds(0, CH)])
    pltpu.sync_copy(r_hbm.at[pl.ds(base, CH)], r_v.at[pl.ds(0, CH)])
    pltpu.sync_copy(le_hbm.at[pl.ds(base, CH)], le_v.at[pl.ds(0, CH)])

    iota = lax.iota(jnp.int32, 16)

    def logit_body(i, m16):
        for u in range(2):
            sl = pl.ds(i * 32 + u * 16, 16)
            lg = (plsc.load_gather(p_v, [s_v[sl]])
                  + plsc.load_gather(q_v, [r_v[sl]])
                  + le_v[sl])
            lg = jnp.where(lg >= 0.0, lg, 0.2 * lg)
            lo_v[sl] = lg
            m16 = jnp.maximum(m16, lg)
        return m16

    m16 = lax.fori_loop(0, FULL // 2, logit_body,
                        jnp.full((16,), -3e38, jnp.float32))

    tmask = iota < TAIL
    sl = pl.ds(FULL * 16, 16)
    s16 = jnp.where(tmask, s_v[sl], 0)
    r16 = jnp.where(tmask, r_v[sl], 0)
    lg = (plsc.load_gather(p_v, [s16], mask=tmask)
          + plsc.load_gather(q_v, [r16], mask=tmask)
          + jnp.where(tmask, le_v[sl], 0.0))
    lg = jnp.where(lg >= 0.0, lg, 0.2 * lg)
    lg = jnp.where(tmask, lg, -3e38)
    s_v[sl] = s16
    lo_v[sl] = lg
    m16 = jnp.maximum(m16, lg)

    ms = jnp.full((16,), jnp.max(m16))
    mx_v[...] = ms

    def zero_body(j, c):
        d_v[pl.ds(j * 16, 16)] = jnp.zeros((16,), jnp.float32)
        return c
    lax.fori_loop(0, NN // 16, zero_body, 0)

    def acc_body(i, c):
        sl = pl.ds(i * 16, 16)
        att = jnp.exp(lo_v[sl] - ms)
        plsc.addupdate_scatter(d_v, [s_v[sl]], att)
        return c
    lax.fori_loop(0, FULL + 1, acc_body, 0)

    pltpu.sync_copy(d_v, dpart_hbm.at[wid])
    pltpu.sync_copy(mx_v, mvec_hbm.at[wid])


def kernel(V, E, edges, W_f, W_a, b_a):
    V2 = V[0]
    E2 = E[0]

    le, p, q = pl.pallas_call(
        _k2_body,
        grid=(10,),
        in_specs=[pl.BlockSpec((16384, 128), lambda i: (i, 0)),
                  pl.BlockSpec((1024, 128), lambda i: (i, 0)),
                  pl.BlockSpec((128, 128), lambda i: (0, 0)),
                  pl.BlockSpec((1, 384), lambda i: (0, 0)),
                  pl.BlockSpec((1, 1), lambda i: (0, 0))],
        out_specs=[pl.BlockSpec((16384,), lambda i: (i,)),
                   pl.BlockSpec((1024,), lambda i: (i,)),
                   pl.BlockSpec((1024,), lambda i: (i,))],
        out_shape=[jax.ShapeDtypeStruct((NE,), jnp.float32),
                   jax.ShapeDtypeStruct((NN,), jnp.float32),
                   jax.ShapeDtypeStruct((NN,), jnp.float32)],
    )(E2, V2, W_f, W_a, b_a.reshape(1, 1))

    dpart, mvec = _k3(p, q, edges[0, :, 0], edges[0, :, 1], le)

    h = pl.pallas_call(
        _k4_body,
        out_shape=jax.ShapeDtypeStruct((NN, 128), jnp.float32),
    )(V2, W_f, dpart, mvec)
    return h.reshape(1, NN, DF)

# --- scband reference (transcript-rebuilt; emitter-appended) ---
"""Pipeline reference for scband-gat-30820685316590 (READ-ONLY COPY).

The authoritative reference and input builder live on the scoring server;
editing this copy changes nothing except your own understanding.
"""

import jax, jax.numpy as jnp
import numpy as np

N_NODES = 10000
N_EDGES = 160000
D_FEAT = 128
D_EDGE = 128
D_OUT = 128


def setup_inputs(seed: int = 0) -> dict:
    key = jax.random.key(seed)
    k0, k1, k2, k3, k4 = jax.random.split(key, 5)
    V = jax.random.normal(k0, (1, N_NODES, D_FEAT), dtype=jnp.float32)
    E = jax.random.normal(k1, (1, N_EDGES, D_EDGE), dtype=jnp.float32)
    edges = jax.random.randint(k2, (1, N_EDGES, 2), 0, N_NODES, dtype=jnp.int32)
    # learned params (nn.Linear stores weight [out, in]; applied as x @ W.T)
    W_f = jax.random.normal(k3, (D_OUT, D_FEAT), dtype=jnp.float32) * (1.0 / np.sqrt(D_FEAT))
    W_a = jax.random.normal(k4, (1, D_OUT * 2 + 128), dtype=jnp.float32) * (1.0 / np.sqrt(D_OUT * 2 + 128))
    b_a = jnp.zeros((1,), dtype=jnp.float32)
    return {"V": V, "E": E, "edges": edges, "W_f": W_f, "W_a": W_a, "b_a": b_a}


def reference(V, E, edges, W_f, W_a, b_a):
    B, Nn, Dd = V.shape
    Ne = edges.shape[1]
    # torch.gather(V, -2, edges[...,0].unsqueeze(-1).repeat(1,1,D))
    idx_s = jnp.broadcast_to(edges[..., 0][..., None], (B, Ne, Dd))
    idx_r = jnp.broadcast_to(edges[..., 1][..., None], (B, Ne, Dd))
    senders = jnp.take_along_axis(V, idx_s, axis=-2)
    receivers = jnp.take_along_axis(V, idx_r, axis=-2)
    h_sender = senders @ W_f.T
    h_receiver = receivers @ W_f.T
    att_in = jnp.concatenate([h_sender, h_receiver, E], axis=-1)
    attention = att_in @ W_a.T + b_a
    attention = jax.nn.leaky_relu(attention, negative_slope=0.2)
    attention = jnp.exp(attention - jnp.max(attention, axis=1, keepdims=True))
    col = edges[..., 0]

    def seg_sum(vals, ids):
        return jax.ops.segment_sum(vals, ids, num_segments=Nn)

    numerator = jax.vmap(seg_sum)(attention * h_sender, col)
    denominator = jax.vmap(seg_sum)(attention, col)
    h = numerator / (denominator + 1e-08)
    return h

if __name__ == "__main__":
    import jax
    _d = setup_inputs()
    print(jax.jit(kernel)(*tuple(_d.values())))

</pallas_src>

<mosaic_0001>
#map = affine_map<(d0, d1) -> (0)>
#map1 = affine_map<(d0, d1) -> (0, 0)>
module attributes {stable_mosaic.version = 14 : i64} {
  func.func @_k3(%arg0: i32, %arg1: i32, %arg2: memref<10000xf32, #tpu.memory_space<hbm>>, %arg3: memref<10000xf32, #tpu.memory_space<hbm>>, %arg4: memref<160000xi32, #tpu.memory_space<hbm>>, %arg5: memref<160000xi32, #tpu.memory_space<hbm>>, %arg6: memref<160000xf32, #tpu.memory_space<hbm>>, %arg7: memref<32x10000xf32, #tpu.memory_space<hbm>>, %arg8: memref<32x16xf32, #tpu.memory_space<hbm>>, %arg9: memref<10000xf32, #tpu.memory_space<vmem>>, %arg10: memref<10000xf32, #tpu.memory_space<vmem>>, %arg11: memref<5008xi32, #tpu.memory_space<vmem>>, %arg12: memref<5008xi32, #tpu.memory_space<vmem>>, %arg13: memref<5008xf32, #tpu.memory_space<vmem>>, %arg14: memref<5008xf32, #tpu.memory_space<vmem>>, %arg15: memref<10000xf32, #tpu.memory_space<vmem>>, %arg16: memref<16xf32, #tpu.memory_space<vmem>>) attributes {dimension_semantics = [#tpu.dimension_semantics<core_parallel>, #tpu.dimension_semantics<subcore_parallel>], iteration_bounds = array<i64: 2, 16>, scalar_prefetch = 0 : i64, scratch_operands = 8 : i64, tpu.core_type = #tpu.core_type<sc_vector_subcore>, window_params = [{transform_indices = #map}, {transform_indices = #map}, {transform_indices = #map}, {transform_indices = #map}, {transform_indices = #map}, {transform_indices = #map1}, {transform_indices = #map1}]} {
    %mul3A = arith.constant 2 : i32
    %mul3A_0 = arith.muli %arg1, %mul3A : i32
    %add3A = arith.addi %mul3A_0, %arg0 : i32
    %mul3A_1 = arith.constant 5000 : i32
    %mul3A_2 = arith.muli %add3A, %mul3A_1 : i32
    "tpu.region"() ({
      %run_scoped3A = tpu.sem_alloc : memref<!tpu.dma_semaphore, #tpu.memory_space<semaphore_mem>>
      tpu.enqueue_dma source(%arg2 : memref<10000xf32, #tpu.memory_space<hbm>>) target(%arg9 : memref<10000xf32, #tpu.memory_space<vmem>>) target_semaphore(%run_scoped3A : memref<!tpu.dma_semaphore, #tpu.memory_space<semaphore_mem>>)
      tpu.wait_dma2 semaphore(%run_scoped3A : memref<!tpu.dma_semaphore, #tpu.memory_space<semaphore_mem>>) src(%arg2 : memref<10000xf32, #tpu.memory_space<hbm>>) dst(%arg9 : memref<10000xf32, #tpu.memory_space<vmem>>)
      tpu.yield
    }) : () -> ()
    "tpu.region"() ({
      %run_scoped3A = tpu.sem_alloc : memref<!tpu.dma_semaphore, #tpu.memory_space<semaphore_mem>>
      tpu.enqueue_dma source(%arg3 : memref<10000xf32, #tpu.memory_space<hbm>>) target(%arg10 : memref<10000xf32, #tpu.memory_space<vmem>>) target_semaphore(%run_scoped3A : memref<!tpu.dma_semaphore, #tpu.memory_space<semaphore_mem>>)
      tpu.wait_dma2 semaphore(%run_scoped3A : memref<!tpu.dma_semaphore, #tpu.memory_space<semaphore_mem>>) src(%arg3 : memref<10000xf32, #tpu.memory_space<hbm>>) dst(%arg10 : memref<10000xf32, #tpu.memory_space<vmem>>)
      tpu.yield
    }) : () -> ()
    "tpu.region"() ({
      %run_scoped3A = tpu.sem_alloc : memref<!tpu.dma_semaphore, #tpu.memory_space<semaphore_mem>>
      %dma_start3A = arith.constant 0 : i32
      %dma_start3A_56 = tpu.memref_slice %arg11[%dma_start3A] : memref<5008xi32, #tpu.memory_space<vmem>> -> memref<5000xi32, #tpu.memory_space<vmem>>
      %dma_start3A_57 = tpu.memref_slice %arg4[%mul3A_2] : memref<160000xi32, #tpu.memory_space<hbm>> -> memref<5000xi32, #tpu.memory_space<hbm>>
      %dma_start3A_58 = arith.constant 0 : i32
      %dma_start3A_59 = tpu.memref_slice %arg11[%dma_start3A_58] : memref<5008xi32, #tpu.memory_space<vmem>> -> memref<5000xi32, #tpu.memory_space<vmem>>
      %dma_start3A_60 = tpu.memref_slice %arg4[%mul3A_2] : memref<160000xi32, #tpu.memory_space<hbm>> -> memref<5000xi32, #tpu.memory_space<hbm>>
      tpu.enqueue_dma source(%dma_start3A_60 : memref<5000xi32, #tpu.memory_space<hbm>>) target(%dma_start3A_59 : memref<5000xi32, #tpu.memory_space<vmem>>) target_semaphore(%run_scoped3A : memref<!tpu.dma_semaphore, #tpu.memory_space<semaphore_mem>>)
      %dma_wait3A = arith.constant 0 : i32
      %dma_wait3A_61 = tpu.memref_slice %arg11[%dma_wait3A] : memref<5008xi32, #tpu.memory_space<vmem>> -> memref<5000xi32, #tpu.memory_space<vmem>>
      %dma_wait3A_62 = tpu.memref_slice %arg4[%mul3A_2] : memref<160000xi32, #tpu.memory_space<hbm>> -> memref<5000xi32, #tpu.memory_space<hbm>>
      %dma_wait3A_63 = arith.constant 0 : i32
      %dma_wait3A_64 = tpu.memref_slice %arg11[%dma_wait3A_63] : memref<5008xi32, #tpu.memory_space<vmem>> -> memref<5000xi32, #tpu.memory_space<vmem>>
      %dma_wait3A_65 = tpu.memref_slice %arg4[%mul3A_2] : memref<160000xi32, #tpu.memory_space<hbm>> -> memref<5000xi32, #tpu.memory_space<hbm>>
      tpu.wait_dma2 semaphore(%run_scoped3A : memref<!tpu.dma_semaphore, #tpu.memory_space<semaphore_mem>>) src(%dma_wait3A_65 : memref<5000xi32, #tpu.memory_space<hbm>>) dst(%dma_wait3A_64 : memref<5000xi32, #tpu.memory_space<vmem>>)
      tpu.yield
    }) : () -> ()
    "tpu.region"() ({
      %run_scoped3A = tpu.sem_alloc : memref<!tpu.dma_semaphore, #tpu.memory_space<semaphore_mem>>
      %dma_start3A = arith.constant 0 : i32
      %dma_start3A_56 = tpu.memref_slice %arg12[%dma_start3A] : memref<5008xi32, #tpu.memory_space<vmem>> -> memref<5000xi32, #tpu.memory_space<vmem>>
      %dma_start3A_57 = tpu.memref_slice %arg5[%mul3A_2] : memref<160000xi32, #tpu.memory_space<hbm>> -> memref<5000xi32, #tpu.memory_space<hbm>>
      %dma_start3A_58 = arith.constant 0 : i32
      %dma_start3A_59 = tpu.memref_slice %arg12[%dma_start3A_58] : memref<5008xi32, #tpu.memory_space<vmem>> -> memref<5000xi32, #tpu.memory_space<vmem>>
      %dma_start3A_60 = tpu.memref_slice %arg5[%mul3A_2] : memref<160000xi32, #tpu.memory_space<hbm>> -> memref<5000xi32, #tpu.memory_space<hbm>>
      tpu.enqueue_dma source(%dma_start3A_60 : memref<5000xi32, #tpu.memory_space<hbm>>) target(%dma_start3A_59 : memref<5000xi32, #tpu.memory_space<vmem>>) target_semaphore(%run_scoped3A : memref<!tpu.dma_semaphore, #tpu.memory_space<semaphore_mem>>)
      %dma_wait3A = arith.constant 0 : i32
      %dma_wait3A_61 = tpu.memref_slice %arg12[%dma_wait3A] : memref<5008xi32, #tpu.memory_space<vmem>> -> memref<5000xi32, #tpu.memory_space<vmem>>
      %dma_wait3A_62 = tpu.memref_slice %arg5[%mul3A_2] : memref<160000xi32, #tpu.memory_space<hbm>> -> memref<5000xi32, #tpu.memory_space<hbm>>
      %dma_wait3A_63 = arith.constant 0 : i32
      %dma_wait3A_64 = tpu.memref_slice %arg12[%dma_wait3A_63] : memref<5008xi32, #tpu.memory_space<vmem>> -> memref<5000xi32, #tpu.memory_space<vmem>>
      %dma_wait3A_65 = tpu.memref_slice %arg5[%mul3A_2] : memref<160000xi32, #tpu.memory_space<hbm>> -> memref<5000xi32, #tpu.memory_space<hbm>>
      tpu.wait_dma2 semaphore(%run_scoped3A : memref<!tpu.dma_semaphore, #tpu.memory_space<semaphore_mem>>) src(%dma_wait3A_65 : memref<5000xi32, #tpu.memory_space<hbm>>) dst(%dma_wait3A_64 : memref<5000xi32, #tpu.memory_space<vmem>>)
      tpu.yield
    }) : () -> ()
    "tpu.region"() ({
      %run_scoped3A = tpu.sem_alloc : memref<!tpu.dma_semaphore, #tpu.memory_space<semaphore_mem>>
      %dma_start3A = arith.constant 0 : i32
      %dma_start3A_56 = tpu.memref_slice %arg13[%dma_start3A] : memref<5008xf32, #tpu.memory_space<vmem>> -> memref<5000xf32, #tpu.memory_space<vmem>>
      %dma_start3A_57 = tpu.memref_slice %arg6[%mul3A_2] : memref<160000xf32, #tpu.memory_space<hbm>> -> memref<5000xf32, #tpu.memory_space<hbm>>
      %dma_start3A_58 = arith.constant 0 : i32
      %dma_start3A_59 = tpu.memref_slice %arg13[%dma_start3A_58] : memref<5008xf32, #tpu.memory_space<vmem>> -> memref<5000xf32, #tpu.memory_space<vmem>>
      %dma_start3A_60 = tpu.memref_slice %arg6[%mul3A_2] : memref<160000xf32, #tpu.memory_space<hbm>> -> memref<5000xf32, #tpu.memory_space<hbm>>
      tpu.enqueue_dma source(%dma_start3A_60 : memref<5000xf32, #tpu.memory_space<hbm>>) target(%dma_start3A_59 : memref<5000xf32, #tpu.memory_space<vmem>>) target_semaphore(%run_scoped3A : memref<!tpu.dma_semaphore, #tpu.memory_space<semaphore_mem>>)
      %dma_wait3A = arith.constant 0 : i32
      %dma_wait3A_61 = tpu.memref_slice %arg13[%dma_wait3A] : memref<5008xf32, #tpu.memory_space<vmem>> -> memref<5000xf32, #tpu.memory_space<vmem>>
      %dma_wait3A_62 = tpu.memref_slice %arg6[%mul3A_2] : memref<160000xf32, #tpu.memory_space<hbm>> -> memref<5000xf32, #tpu.memory_space<hbm>>
      %dma_wait3A_63 = arith.constant 0 : i32
      %dma_wait3A_64 = tpu.memref_slice %arg13[%dma_wait3A_63] : memref<5008xf32, #tpu.memory_space<vmem>> -> memref<5000xf32, #tpu.memory_space<vmem>>
      %dma_wait3A_65 = tpu.memref_slice %arg6[%mul3A_2] : memref<160000xf32, #tpu.memory_space<hbm>> -> memref<5000xf32, #tpu.memory_space<hbm>>
      tpu.wait_dma2 semaphore(%run_scoped3A : memref<!tpu.dma_semaphore, #tpu.memory_space<semaphore_mem>>) src(%dma_wait3A_65 : memref<5000xf32, #tpu.memory_space<hbm>>) dst(%dma_wait3A_64 : memref<5000xf32, #tpu.memory_space<vmem>>)
      tpu.yield
    }) : () -> ()
    %iota3A = tpu.iota {dimensions = array<i32: 0>} : vector<16xi32>
    %broadcast_in_dim3A = arith.constant -3.000000e+38 : f32
    %broadcast_in_dim3A_3 = vector.broadcast %broadcast_in_dim3A : f32 to vector<16xf32>
    %scan3A = arith.constant 0 : i32
    %scan3A_4 = arith.constant 156 : i32
    %scan3A_5 = arith.addi %scan3A, %scan3A_4 : i32
    %scan3A_6 = arith.constant 1 : i32
    %scan3A_7 = scf.for %scan3A_56 = %scan3A to %scan3A_5 step %scan3A_6 iter_args(%scan3A_57 = %broadcast_in_dim3A_3) -> (vector<16xf32>)  : i32 {
      %mul3A_58 = arith.constant 32 : i32
      %mul3A_59 = arith.muli %scan3A_56, %mul3A_58 : i32
      %add3A_60 = arith.constant 0 : i32
      %add3A_61 = arith.addi %mul3A_59, %add3A_60 : i32
      %get3A_62 = arith.index_cast %add3A_61 : i32 to index
      %get3A_63 = tpu.vector_load %arg11[%get3A_62] {strides = array<i32>} : memref<5008xi32, #tpu.memory_space<vmem>>, vector<16xi32>,
      %gather3A_64 = tpu.vector_load_idx %arg9[%get3A_63] : memref<10000xf32, #tpu.memory_space<vmem>>[vector<16xi32>], vector<16xf32>,
      %get3A_65 = arith.index_cast %add3A_61 : i32 to index
      %get3A_66 = tpu.vector_load %arg12[%get3A_65] {strides = array<i32>} : memref<5008xi32, #tpu.memory_space<vmem>>, vector<16xi32>,
      %gather3A_67 = tpu.vector_load_idx %arg10[%get3A_66] : memref<10000xf32, #tpu.memory_space<vmem>>[vector<16xi32>], vector<16xf32>,
      %add3A_68 = arith.addf %gather3A_64, %gather3A_67 : vector<16xf32>
      %get3A_69 = arith.index_cast %add3A_61 : i32 to index
      %get3A_70 = tpu.vector_load %arg13[%get3A_69] {strides = array<i32>} : memref<5008xf32, #tpu.memory_space<vmem>>, vector<16xf32>,
      %add3A_71 = arith.addf %add3A_68, %get3A_70 : vector<16xf32>
      %ge3A_72 = arith.constant 0.000000e+00 : f32
      %ge3A_73 = vector.broadcast %ge3A_72 : f32 to vector<16xf32>
      %ge3A_74 = arith.cmpf oge, %add3A_71, %ge3A_73 : vector<16xf32>
      %mul3A_75 = arith.constant 2.000000e-01 : f32
      %mul3A_76 = vector.broadcast %mul3A_75 : f32 to vector<16xf32>
      %mul3A_77 = arith.mulf %mul3A_76, %add3A_71 : vector<16xf32>
      %select_n3A_78 = arith.select %ge3A_74, %add3A_71, %mul3A_77 : vector<16xi1>, vector<16xf32>
      %swap3A_79 = arith.index_cast %add3A_61 : i32 to index
      %swap3A_80 = tpu.vector_load %arg14[%swap3A_79] {strides = array<i32>} : memref<5008xf32, #tpu.memory_space<vmem>>, vector<16xf32>,
      tpu.vector_store %arg14[%swap3A_79], %select_n3A_78 {strides = array<i32>} : memref<5008xf32, #tpu.memory_space<vmem>>, vector<16xf32>,
      %max3A_81 = arith.maximumf %scan3A_57, %select_n3A_78 : vector<16xf32>
      %mul3A_82 = arith.constant 32 : i32
      %mul3A_83 = arith.muli %scan3A_56, %mul3A_82 : i32
      %add3A_84 = arith.constant 16 : i32
      %add3A_85 = arith.addi %mul3A_83, %add3A_84 : i32
      %get3A_86 = arith.index_cast %add3A_85 : i32 to index
      %get3A_87 = tpu.vector_load %arg11[%get3A_86] {strides = array<i32>} : memref<5008xi32, #tpu.memory_space<vmem>>, vector<16xi32>,
      %gather3A_88 = tpu.vector_load_idx %arg9[%get3A_87] : memref<10000xf32, #tpu.memory_space<vmem>>[vector<16xi32>], vector<16xf32>,
      %get3A_89 = arith.index_cast %add3A_85 : i32 to index
      %get3A_90 = tpu.vector_load %arg12[%get3A_89] {strides = array<i32>} : memref<5008xi32, #tpu.memory_space<vmem>>, vector<16xi32>,
      %gather3A_91 = tpu.vector_load_idx %arg10[%get3A_90] : memref<10000xf32, #tpu.memory_space<vmem>>[vector<16xi32>], vector<16xf32>,
      %add3A_92 = arith.addf %gather3A_88, %gather3A_91 : vector<16xf32>
      %get3A_93 = arith.index_cast %add3A_85 : i32 to index
      %get3A_94 = tpu.vector_load %arg13[%get3A_93] {strides = array<i32>} : memref<5008xf32, #tpu.memory_space<vmem>>, vector<16xf32>,
      %add3A_95 = arith.addf %add3A_92, %get3A_94 : vector<16xf32>
      %ge3A_96 = arith.constant 0.000000e+00 : f32
      %ge3A_97 = vector.broadcast %ge3A_96 : f32 to vector<16xf32>
      %ge3A_98 = arith.cmpf oge, %add3A_95, %ge3A_97 : vector<16xf32>
      %mul3A_99 = arith.constant 2.000000e-01 : f32
      %mul3A_100 = vector.broadcast %mul3A_99 : f32 to vector<16xf32>
      %mul3A_101 = arith.mulf %mul3A_100, %add3A_95 : vector<16xf32>
      %select_n3A_102 = arith.select %ge3A_98, %add3A_95, %mul3A_101 : vector<16xi1>, vector<16xf32>
      %swap3A_103 = arith.index_cast %add3A_85 : i32 to index
      %swap3A_104 = tpu.vector_load %arg14[%swap3A_103] {strides = array<i32>} : memref<5008xf32, #tpu.memory_space<vmem>>, vector<16xf32>,
      tpu.vector_store %arg14[%swap3A_103], %select_n3A_102 {strides = array<i32>} : memref<5008xf32, #tpu.memory_space<vmem>>, vector<16xf32>,
      %max3A_105 = arith.maximumf %max3A_81, %select_n3A_102 : vector<16xf32>
      scf.yield %max3A_105 : vector<16xf32>
    }
    %scan3A_8 = arith.constant 156 : i32
    %lt3A = arith.constant 8 : i32
    %lt3A_9 = vector.broadcast %lt3A : i32 to vector<16xi32>
    %lt3A_10 = arith.cmpi slt, %iota3A, %lt3A_9 : vector<16xi32>
    %get3A = arith.constant 4992 : index
    %get3A_11 = tpu.vector_load %arg11[%get3A] {strides = array<i32>} : memref<5008xi32, #tpu.memory_space<vmem>>, vector<16xi32>,
    %jit3A = arith.constant 0 : i32
    %broadcast_in_dim3A_12 = vector.broadcast %jit3A : i32 to vector<16xi32>
    %select_n3A = arith.select %lt3A_10, %get3A_11, %broadcast_in_dim3A_12 : vector<16xi1>, vector<16xi32>
    %get3A_13 = arith.constant 4992 : index
    %get3A_14 = tpu.vector_load %arg12[%get3A_13] {strides = array<i32>} : memref<5008xi32, #tpu.memory_space<vmem>>, vector<16xi32>,
    %jit3A_15 = arith.constant 0 : i32
    %broadcast_in_dim3A_16 = vector.broadcast %jit3A_15 : i32 to vector<16xi32>
    %select_n3A_17 = arith.select %lt3A_10, %get3A_14, %broadcast_in_dim3A_16 : vector<16xi1>, vector<16xi32>
    %gather3A = tpu.vector_load_idx %arg9[%select_n3A] masked %lt3A_10 : memref<10000xf32, #tpu.memory_space<vmem>>[vector<16xi32>], vector<16xf32>, vector<16xi1>
    %gather3A_18 = tpu.vector_load_idx %arg10[%select_n3A_17] masked %lt3A_10 : memref<10000xf32, #tpu.memory_space<vmem>>[vector<16xi32>], vector<16xf32>, vector<16xi1>
    %add3A_19 = arith.addf %gather3A, %gather3A_18 : vector<16xf32>
    %get3A_20 = arith.constant 4992 : index
    %get3A_21 = tpu.vector_load %arg13[%get3A_20] {strides = array<i32>} : memref<5008xf32, #tpu.memory_space<vmem>>, vector<16xf32>,
    %jit3A_22 = arith.constant 0.000000e+00 : f32
    %broadcast_in_dim3A_23 = vector.broadcast %jit3A_22 : f32 to vector<16xf32>
    %select_n3A_24 = arith.select %lt3A_10, %get3A_21, %broadcast_in_dim3A_23 : vector<16xi1>, vector<16xf32>
    %add3A_25 = arith.addf %add3A_19, %select_n3A_24 : vector<16xf32>
    %ge3A = arith.constant 0.000000e+00 : f32
    %ge3A_26 = vector.broadcast %ge3A : f32 to vector<16xf32>
    %ge3A_27 = arith.cmpf oge, %add3A_25, %ge3A_26 : vector<16xf32>
    %mul3A_28 = arith.constant 2.000000e-01 : f32
    %mul3A_29 = vector.broadcast %mul3A_28 : f32 to vector<16xf32>
    %mul3A_30 = arith.mulf %mul3A_29, %add3A_25 : vector<16xf32>
    %select_n3A_31 = arith.select %ge3A_27, %add3A_25, %mul3A_30 : vector<16xi1>, vector<16xf32>
    %jit3A_32 = arith.constant -3.000000e+38 : f32
    %broadcast_in_dim3A_33 = vector.broadcast %jit3A_32 : f32 to vector<16xf32>
    %select_n3A_34 = arith.select %lt3A_10, %select_n3A_31, %broadcast_in_dim3A_33 : vector<16xi1>, vector<16xf32>
    %swap3A = arith.constant 4992 : index
    %swap3A_35 = tpu.vector_load %arg11[%swap3A] {strides = array<i32>} : memref<5008xi32, #tpu.memory_space<vmem>>, vector<16xi32>,
    tpu.vector_store %arg11[%swap3A], %select_n3A {strides = array<i32>} : memref<5008xi32, #tpu.memory_space<vmem>>, vector<16xi32>,
    %swap3A_36 = arith.constant 4992 : index
    %swap3A_37 = tpu.vector_load %arg14[%swap3A_36] {strides = array<i32>} : memref<5008xf32, #tpu.memory_space<vmem>>, vector<16xf32>,
    tpu.vector_store %arg14[%swap3A_36], %select_n3A_34 {strides = array<i32>} : memref<5008xf32, #tpu.memory_space<vmem>>, vector<16xf32>,
    %max3A = arith.maximumf %scan3A_7, %select_n3A_34 : vector<16xf32>
    %reduce_max3A = arith.constant true
    %reduce_max3A_38 = vector.broadcast %reduce_max3A : i1 to vector<16xi1>
    %reduce_max3A_39 = tpu.scan <max>, %max3A masked %reduce_max3A_38 : vector<16xf32>, vector<16xi1> -> vector<16xf32>
    %reduce_max3A_40 = vector.extract %reduce_max3A_39[15] : f32 from vector<16xf32>
    %broadcast_in_dim3A_41 = vector.broadcast %reduce_max3A_40 : f32 to vector<16xf32>
    %swap3A_42 = arith.constant 0 : index
    %swap3A_43 = tpu.vector_load %arg16[%swap3A_42] {strides = array<i32>} : memref<16xf32, #tpu.memory_space<vmem>>, vector<16xf32>,
    tpu.vector_store %arg16[%swap3A_42], %broadcast_in_dim3A_41 {strides = array<i32>} : memref<16xf32, #tpu.memory_space<vmem>>, vector<16xf32>,
    %scan3A_44 = arith.constant 0 : i32
    %scan3A_45 = arith.constant 0 : i32
    %scan3A_46 = arith.constant 625 : i32
    %scan3A_47 = arith.addi %scan3A_45, %scan3A_46 : i32
    %scan3A_48 = arith.constant 1 : i32
    scf.for %scan3A_56 = %scan3A_45 to %scan3A_47 step %scan3A_48  : i32 {
      %broadcast_in_dim3A_57 = arith.constant 0.000000e+00 : f32
      %broadcast_in_dim3A_58 = vector.broadcast %broadcast_in_dim3A_57 : f32 to vector<16xf32>
      %mul3A_59 = arith.constant 16 : i32
      %mul3A_60 = arith.muli %scan3A_56, %mul3A_59 : i32
      %swap3A_61 = arith.index_cast %mul3A_60 : i32 to index
      %swap3A_62 = tpu.vector_load %arg15[%swap3A_61] {strides = array<i32>} : memref<10000xf32, #tpu.memory_space<vmem>>, vector<16xf32>,
      tpu.vector_store %arg15[%swap3A_61], %broadcast_in_dim3A_58 {strides = array<i32>} : memref<10000xf32, #tpu.memory_space<vmem>>, vector<16xf32>,
    }
    %scan3A_49 = arith.constant 625 : i32
    %scan3A_50 = arith.constant 0 : i32
    %scan3A_51 = arith.constant 0 : i32
    %scan3A_52 = arith.constant 313 : i32
    %scan3A_53 = arith.addi %scan3A_51, %scan3A_52 : i32
    %scan3A_54 = arith.constant 1 : i32
    scf.for %scan3A_56 = %scan3A_51 to %scan3A_53 step %scan3A_54  : i32 {
      %mul3A_57 = arith.constant 16 : i32
      %mul3A_58 = arith.muli %scan3A_56, %mul3A_57 : i32
      %get3A_59 = arith.index_cast %mul3A_58 : i32 to index
      %get3A_60 = tpu.vector_load %arg14[%get3A_59] {strides = array<i32>} : memref<5008xf32, #tpu.memory_space<vmem>>, vector<16xf32>,
      %sub3A = arith.subf %get3A_60, %broadcast_in_dim3A_41 : vector<16xf32>
      %exp3A = math.exp %sub3A : vector<16xf32>
      %get3A_61 = arith.index_cast %mul3A_58 : i32 to index
      %get3A_62 = tpu.vector_load %arg11[%get3A_61] {strides = array<i32>} : memref<5008xi32, #tpu.memory_space<vmem>>, vector<16xi32>,
      tpu.vector_store_idx %arg15[%get3A_62], %exp3A {add = true} : memref<10000xf32, #tpu.memory_space<vmem>>[vector<16xi32>], vector<16xf32>,
    }
    %scan3A_55 = arith.constant 313 : i32
    "tpu.region"() ({
      %run_scoped3A = tpu.sem_alloc : memref<!tpu.dma_semaphore, #tpu.memory_space<semaphore_mem>>
      %dma_start3A = arith.constant 0 : i32
      %dma_start3A_56 = tpu.memref_slice %arg7[%add3A, %dma_start3A] : memref<32x10000xf32, #tpu.memory_space<hbm>> -> memref<1x10000xf32, #tpu.memory_space<hbm>>
      %dma_start3A_57 = tpu.memref_squeeze %dma_start3A_56 : memref<1x10000xf32, #tpu.memory_space<hbm>> -> memref<10000xf32, #tpu.memory_space<hbm>>
      %dma_start3A_58 = arith.constant 0 : i32
      %dma_start3A_59 = tpu.memref_slice %arg7[%add3A, %dma_start3A_58] : memref<32x10000xf32, #tpu.memory_space<hbm>> -> memref<1x10000xf32, #tpu.memory_space<hbm>>
      %dma_start3A_60 = tpu.memref_squeeze %dma_start3A_59 : memref<1x10000xf32, #tpu.memory_space<hbm>> -> memref<10000xf32, #tpu.memory_space<hbm>>
      tpu.enqueue_dma source(%arg15 : memref<10000xf32, #tpu.memory_space<vmem>>) target(%dma_start3A_60 : memref<10000xf32, #tpu.memory_space<hbm>>) target_semaphore(%run_scoped3A : memref<!tpu.dma_semaphore, #tpu.memory_space<semaphore_mem>>)
      %dma_wait3A = arith.constant 0 : i32
      %dma_wait3A_61 = tpu.memref_slice %arg7[%add3A, %dma_wait3A] : memref<32x10000xf32, #tpu.memory_space<hbm>> -> memref<1x10000xf32, #tpu.memory_space<hbm>>
      %dma_wait3A_62 = tpu.memref_squeeze %dma_wait3A_61 : memref<1x10000xf32, #tpu.memory_space<hbm>> -> memref<10000xf32, #tpu.memory_space<hbm>>
      %dma_wait3A_63 = arith.constant 0 : i32
      %dma_wait3A_64 = tpu.memref_slice %arg7[%add3A, %dma_wait3A_63] : memref<32x10000xf32, #tpu.memory_space<hbm>> -> memref<1x10000xf32, #tpu.memory_space<hbm>>
      %dma_wait3A_65 = tpu.memref_squeeze %dma_wait3A_64 : memref<1x10000xf32, #tpu.memory_space<hbm>> -> memref<10000xf32, #tpu.memory_space<hbm>>
      tpu.wait_dma2 semaphore(%run_scoped3A : memref<!tpu.dma_semaphore, #tpu.memory_space<semaphore_mem>>) src(%arg15 : memref<10000xf32, #tpu.memory_space<vmem>>) dst(%dma_wait3A_65 : memref<10000xf32, #tpu.memory_space<hbm>>)
      tpu.yield
    }) : () -> ()
    "tpu.region"() ({
      %run_scoped3A = tpu.sem_alloc : memref<!tpu.dma_semaphore, #tpu.memory_space<semaphore_mem>>
      %dma_start3A = arith.constant 0 : i32
      %dma_start3A_56 = tpu.memref_slice %arg8[%add3A, %dma_start3A] : memref<32x16xf32, #tpu.memory_space<hbm>> -> memref<1x16xf32, #tpu.memory_space<hbm>>
      %dma_start3A_57 = tpu.memref_squeeze %dma_start3A_56 : memref<1x16xf32, #tpu.memory_space<hbm>> -> memref<16xf32, #tpu.memory_space<hbm>>
      %dma_start3A_58 = arith.constant 0 : i32
      %dma_start3A_59 = tpu.memref_slice %arg8[%add3A, %dma_start3A_58] : memref<32x16xf32, #tpu.memory_space<hbm>> -> memref<1x16xf32, #tpu.memory_space<hbm>>
      %dma_start3A_60 = tpu.memref_squeeze %dma_start3A_59 : memref<1x16xf32, #tpu.memory_space<hbm>> -> memref<16xf32, #tpu.memory_space<hbm>>
      tpu.enqueue_dma source(%arg16 : memref<16xf32, #tpu.memory_space<vmem>>) target(%dma_start3A_60 : memref<16xf32, #tpu.memory_space<hbm>>) target_semaphore(%run_scoped3A : memref<!tpu.dma_semaphore, #tpu.memory_space<semaphore_mem>>)
      %dma_wait3A = arith.constant 0 : i32
      %dma_wait3A_61 = tpu.memref_slice %arg8[%add3A, %dma_wait3A] : memref<32x16xf32, #tpu.memory_space<hbm>> -> memref<1x16xf32, #tpu.memory_space<hbm>>
      %dma_wait3A_62 = tpu.memref_squeeze %dma_wait3A_61 : memref<1x16xf32, #tpu.memory_space<hbm>> -> memref<16xf32, #tpu.memory_space<hbm>>
      %dma_wait3A_63 = arith.constant 0 : i32
      %dma_wait3A_64 = tpu.memref_slice %arg8[%add3A, %dma_wait3A_63] : memref<32x16xf32, #tpu.memory_space<hbm>> -> memref<1x16xf32, #tpu.memory_space<hbm>>
      %dma_wait3A_65 = tpu.memref_squeeze %dma_wait3A_64 : memref<1x16xf32, #tpu.memory_space<hbm>> -> memref<16xf32, #tpu.memory_space<hbm>>
      tpu.wait_dma2 semaphore(%run_scoped3A : memref<!tpu.dma_semaphore, #tpu.memory_space<semaphore_mem>>) src(%arg16 : memref<16xf32, #tpu.memory_space<vmem>>) dst(%dma_wait3A_65 : memref<16xf32, #tpu.memory_space<hbm>>)
      tpu.yield
    }) : () -> ()
    return
  }
}

module attributes {stable_mosaic.version = 14 : i64} {
  func.func @_k2_body(%arg0: i32, %arg1: memref<16384x128xf32, #tpu.memory_space<vmem>>, %arg2: memref<1024x128xf32, #tpu.memory_space<vmem>>, %arg3: memref<128x128xf32, #tpu.memory_space<vmem>>, %arg4: memref<1x384xf32, #tpu.memory_space<vmem>>, %arg5: memref<1x1xf32, #tpu.memory_space<vmem>>, %arg6: memref<16384xf32, #tpu.memory_space<vmem>>, %arg7: memref<1024xf32, #tpu.memory_space<vmem>>, %arg8: memref<1024xf32, #tpu.memory_space<vmem>>) attributes {dimension_semantics = [#tpu.dimension_semantics<arbitrary>], iteration_bounds = array<i64: 10>, scalar_prefetch = 0 : i64, scratch_operands = 0 : i64, tpu.core_type = #tpu.core_type<tc>, window_params = [{transform_indices = @transform_0, window_bounds = array<i64: 16384, 128>}, {transform_indices = @transform_1, window_bounds = array<i64: 1024, 128>}, {pipeline_mode = #tpu.pipeline_mode<synchronous>, transform_indices = @transform_2, window_bounds = array<i64: 128, 128>}, {pipeline_mode = #tpu.pipeline_mode<synchronous>, transform_indices = @transform_3, window_bounds = array<i64: 1, 384>}, {pipeline_mode = #tpu.pipeline_mode<synchronous>, transform_indices = @transform_4, window_bounds = array<i64: 1, 1>}, {transform_indices = @transform_5, window_bounds = array<i64: 16384>}, {transform_indices = @transform_6, window_bounds = array<i64: 1024>}, {transform_indices = @transform_7, window_bounds = array<i64: 1024>}]} {
    %get3A = arith.constant 0 : index
    %get3A_0 = arith.constant 256 : index
    %get3A_1 = vector.load %arg4[%get3A, %get3A_0] : memref<1x384xf32, #tpu.memory_space<vmem>>, vector<1x128xf32>
    %get3A_2 = arith.constant 0 : index
    %get3A_3 = arith.constant 0 : index
    %get3A_4 = vector.load %arg1[%get3A_2, %get3A_3] : memref<16384x128xf32, #tpu.memory_space<vmem>>, vector<16384x128xf32>
    %mul3A = vector.broadcast %get3A_1 : vector<1x128xf32> to vector<16384x128xf32>
    %mul3A_5 = arith.mulf %get3A_4, %mul3A : vector<16384x128xf32>
    %reduce_sum3A = arith.constant dense<0.000000e+00> : vector<16384xf32>
    %reduce_sum3A_6 = vector.multi_reduction <add>, %mul3A_5, %reduce_sum3A [1] : vector<16384x128xf32> to vector<16384xf32>
    %get3A_7 = arith.constant 0 : index
    %get3A_8 = arith.constant 0 : index
    %get3A_9 = vector.load %arg5[%get3A_7, %get3A_8] : memref<1x1xf32, #tpu.memory_space<vmem>>, vector<1x1xf32>
    %get3A_10 = vector.extract %get3A_9[0, 0] : f32 from vector<1x1xf32>
    %add3A = vector.broadcast %get3A_10 : f32 to vector<16384xf32>
    %add3A_11 = arith.addf %reduce_sum3A_6, %add3A : vector<16384xf32>
    %swap3A = arith.constant 0 : index
    %swap3A_12 = vector.load %arg6[%swap3A] : memref<16384xf32, #tpu.memory_space<vmem>>, vector<16384xf32>
    tpu.vector_store %arg6[%swap3A], %add3A_11 {strides = array<i32>} : memref<16384xf32, #tpu.memory_space<vmem>>, vector<16384xf32>,
    %get3A_13 = arith.constant 0 : index
    %get3A_14 = arith.constant 0 : index
    %get3A_15 = vector.load %arg2[%get3A_13, %get3A_14] : memref<1024x128xf32, #tpu.memory_space<vmem>>, vector<1024x128xf32>
    %get3A_16 = arith.constant 0 : index
    %get3A_17 = arith.constant 0 : index
    %get3A_18 = vector.load %arg3[%get3A_16, %get3A_17] : memref<128x128xf32, #tpu.memory_space<vmem>>, vector<128x128xf32>
    %dot_general3A = arith.constant dense<0.000000e+00> : vector<1024x128xf32>
    %dot_general3A_19 = tpu.matmul %get3A_15, %get3A_18, %dot_general3A {dimension_numbers = #tpu.dot_dimension_numbers<[1], [1], [0], [0], [0, 0, 1, 0], [], []>, precision = #tpu.contract_precision<fp32>, transpose_lhs_hint = false} : vector<1024x128xf32>, vector<128x128xf32>, vector<1024x128xf32> -> vector<1024x128xf32>
    %get3A_20 = arith.constant 0 : index
    %get3A_21 = arith.constant 0 : index
    %get3A_22 = vector.load %arg4[%get3A_20, %get3A_21] : memref<1x384xf32, #tpu.memory_space<vmem>>, vector<1x128xf32>
    %mul3A_23 = vector.broadcast %get3A_22 : vector<1x128xf32> to vector<1024x128xf32>
    %mul3A_24 = arith.mulf %dot_general3A_19, %mul3A_23 : vector<1024x128xf32>
    %reduce_sum3A_25 = arith.constant dense<0.000000e+00> : vector<1024xf32>
    %reduce_sum3A_26 = vector.multi_reduction <add>, %mul3A_24, %reduce_sum3A_25 [1] : vector<1024x128xf32> to vector<1024xf32>
    %swap3A_27 = arith.constant 0 : index
    %swap3A_28 = vector.load %arg7[%swap3A_27] : memref<1024xf32, #tpu.memory_space<vmem>>, vector<1024xf32>
    tpu.vector_store %arg7[%swap3A_27], %reduce_sum3A_26 {strides = array<i32>} : memref<1024xf32, #tpu.memory_space<vmem>>, vector<1024xf32>,
    %get3A_29 = arith.constant 0 : index
    %get3A_30 = arith.constant 128 : index
    %get3A_31 = vector.load %arg4[%get3A_29, %get3A_30] : memref<1x384xf32, #tpu.memory_space<vmem>>, vector<1x128xf32>
    %mul3A_32 = vector.broadcast %get3A_31 : vector<1x128xf32> to vector<1024x128xf32>
    %mul3A_33 = arith.mulf %dot_general3A_19, %mul3A_32 : vector<1024x128xf32>
    %reduce_sum3A_34 = arith.constant dense<0.000000e+00> : vector<1024xf32>
    %reduce_sum3A_35 = vector.multi_reduction <add>, %mul3A_33, %reduce_sum3A_34 [1] : vector<1024x128xf32> to vector<1024xf32>
    %swap3A_36 = arith.constant 0 : index
    %swap3A_37 = vector.load %arg8[%swap3A_36] : memref<1024xf32, #tpu.memory_space<vmem>>, vector<1024xf32>
    tpu.vector_store %arg8[%swap3A_36], %reduce_sum3A_35 {strides = array<i32>} : memref<1024xf32, #tpu.memory_space<vmem>>, vector<1024xf32>,
    return
  }
  func.func @transform_0(%arg0: i32) -> (i32, i32) {
    %c0_i32 = arith.constant 0 : i32
    %c0_i32_0 = arith.constant 0 : i32
    return %arg0, %c0_i32 : i32, i32
  }
  func.func @transform_1(%arg0: i32) -> (i32, i32) {
    %c0_i32 = arith.constant 0 : i32
    %c0_i32_0 = arith.constant 0 : i32
    return %arg0, %c0_i32 : i32, i32
  }
  func.func @transform_2(%arg0: i32) -> (i32, i32) {
    %c0_i32 = arith.constant 0 : i32
    %c0_i32_0 = arith.constant 0 : i32
    %c0_i32_1 = arith.constant 0 : i32
    return %c0_i32, %c0_i32_0 : i32, i32
  }
  func.func @transform_3(%arg0: i32) -> (i32, i32) {
    %c0_i32 = arith.constant 0 : i32
    %c0_i32_0 = arith.constant 0 : i32
    %c0_i32_1 = arith.constant 0 : i32
    return %c0_i32, %c0_i32_0 : i32, i32
  }
  func.func @transform_4(%arg0: i32) -> (i32, i32) {
    %c0_i32 = arith.constant 0 : i32
    %c0_i32_0 = arith.constant 0 : i32
    %c0_i32_1 = arith.constant 0 : i32
    return %c0_i32, %c0_i32_0 : i32, i32
  }
  func.func @transform_5(%arg0: i32) -> i32 {
    %c0_i32 = arith.constant 0 : i32
    return %arg0 : i32
  }
  func.func @transform_6(%arg0: i32) -> i32 {
    %c0_i32 = arith.constant 0 : i32
    return %arg0 : i32
  }
  func.func @transform_7(%arg0: i32) -> i32 {
    %c0_i32 = arith.constant 0 : i32
    return %arg0 : i32
  }
}

module attributes {stable_mosaic.version = 14 : i64} {
  func.func @_k4_body(%arg0: memref<10000x128xf32, #tpu.memory_space<vmem>>, %arg1: memref<128x128xf32, #tpu.memory_space<vmem>>, %arg2: memref<32x10000xf32, #tpu.memory_space<vmem>>, %arg3: memref<32x16xf32, #tpu.memory_space<vmem>>, %arg4: memref<10000x128xf32, #tpu.memory_space<vmem>>) attributes {dimension_semantics = [], scalar_prefetch = 0 : i64, scratch_operands = 0 : i64, tpu.core_type = #tpu.core_type<tc>} {
    %get3A = arith.constant 0 : index
    %get3A_0 = arith.constant 0 : index
    %get3A_1 = vector.load %arg3[%get3A, %get3A_0] : memref<32x16xf32, #tpu.memory_space<vmem>>, vector<32x1xf32>
    %reduce_max3A = vector.shape_cast %get3A_1 : vector<32x1xf32> to vector<1x32x1xf32>
    %reduce_max3A_2 = arith.constant dense<0xFF800000> : vector<1xf32>
    %reduce_max3A_3 = vector.multi_reduction <maximumf>, %reduce_max3A, %reduce_max3A_2 [1, 2] : vector<1x32x1xf32> to vector<1xf32>
    %reduce_max3A_4 = vector.shape_cast %reduce_max3A_3 : vector<1xf32> to vector<1x1x1xf32>
    %reduce_max3A_5 = vector.extract %reduce_max3A_4[0, 0, 0] : f32 from vector<1x1x1xf32>
    %sub3A = vector.broadcast %reduce_max3A_5 : f32 to vector<32x1xf32>
    %sub3A_6 = arith.subf %get3A_1, %sub3A : vector<32x1xf32>
    %exp3A = math.exp %sub3A_6 : vector<32x1xf32>
    %get3A_7 = arith.constant 0 : index
    %get3A_8 = arith.constant 0 : index
    %get3A_9 = vector.load %arg2[%get3A_7, %get3A_8] : memref<32x10000xf32, #tpu.memory_space<vmem>>, vector<32x10000xf32>
    %mul3A = vector.broadcast %exp3A : vector<32x1xf32> to vector<32x10000xf32>
    %mul3A_10 = arith.mulf %get3A_9, %mul3A : vector<32x10000xf32>
    %reduce_sum3A = arith.constant dense<0.000000e+00> : vector<10000xf32>
    %reduce_sum3A_11 = vector.multi_reduction <add>, %mul3A_10, %reduce_sum3A [0] : vector<32x10000xf32> to vector<10000xf32>
    %get3A_12 = arith.constant 0 : index
    %get3A_13 = arith.constant 0 : index
    %get3A_14 = vector.load %arg0[%get3A_12, %get3A_13] : memref<10000x128xf32, #tpu.memory_space<vmem>>, vector<10000x128xf32>
    %get3A_15 = arith.constant 0 : index
    %get3A_16 = arith.constant 0 : index
    %get3A_17 = vector.load %arg1[%get3A_15, %get3A_16] : memref<128x128xf32, #tpu.memory_space<vmem>>, vector<128x128xf32>
    %dot_general3A = arith.constant dense<0.000000e+00> : vector<10000x128xf32>
    %dot_general3A_18 = tpu.matmul %get3A_14, %get3A_17, %dot_general3A {dimension_numbers = #tpu.dot_dimension_numbers<[1], [1], [0], [0], [0, 0, 1, 0], [], []>, precision = #tpu.contract_precision<fp32>, transpose_lhs_hint = false} : vector<10000x128xf32>, vector<128x128xf32>, vector<10000x128xf32> -> vector<10000x128xf32>
    %add3A = arith.constant 9.99999993E-9 : f32
    %add3A_19 = vector.broadcast %add3A : f32 to vector<10000xf32>
    %add3A_20 = arith.addf %reduce_sum3A_11, %add3A_19 : vector<10000xf32>
    %div3A = arith.divf %reduce_sum3A_11, %add3A_20 : vector<10000xf32>
    %broadcast_in_dim3A = vector.shape_cast %div3A : vector<10000xf32> to vector<10000x1xf32>
    %mul3A_21 = vector.broadcast %broadcast_in_dim3A : vector<10000x1xf32> to vector<10000x128xf32>
    %mul3A_22 = arith.mulf %dot_general3A_18, %mul3A_21 : vector<10000x128xf32>
    %swap3A = arith.constant 0 : index
    %swap3A_23 = arith.constant 0 : index
    %swap3A_24 = vector.load %arg4[%swap3A, %swap3A_23] : memref<10000x128xf32, #tpu.memory_space<vmem>>, vector<10000x128xf32>
    tpu.vector_store %arg4[%swap3A, %swap3A_23], %mul3A_22 {strides = array<i32>} : memref<10000x128xf32, #tpu.memory_space<vmem>>, vector<10000x128xf32>,
    return
  }
}

</mosaic_0001>

<sc_bundles>
// kernel: kernel.5.cloned.1.call-start
scs
__scs_entry_jumppad:
0x0: {  	(pc) =	sbr.rel $0x88, $3  }
0x1: {  	(tag) =	ssettag $0x0;
	lr =	simm.s32 $0x1  }
0x2: {  	[smem:$0x3F9B] =	sst lr;
	_ =	strace $0xD0000000  }
0x3: {  	_ = 	snop  }
0x4: {  	_ = 	snop  }
0x5: {  	_ = 	snop  }
0x6: {  	_ = 	snop  }
0x7: {  	_ = 	snop  }
__scs_overlays_trampoline_lowered:
0x8: {  	[smem:$0x3FAA] =	sst s0  }
0x9: {  	[smem:$0x3FAB] =	sst s1  }
0xa: {  	[smem:$0x3FAC] =	sst s2  }
0xb: {  	[smem:$0x3FAD] =	sst s3  }
0xc: {  	[smem:$0x3FAE] =	sst s4  }
0xd: {  	[smem:$0x3FAF] =	sst s5  }
0xe: {  	[smem:$0x3FB0] =	sst s6  }
0xf: {  	[smem:$0x3FB1] =	sst s7  }
0x10: {  	[smem:$0x3FB2] =	sst s8  }
0x11: {  	[smem:$0x3FB3] =	sst s9;
	s0 =	simm.s32 @!p0 $0x0  }
0x12: {  	s1 =	sld [smem:$0x3F99];
	s0 =	simm.s32 @p0 $0x1  }
0x13: {  	[smem:$0x3FB4] =	sst s0;
	s0 =	simm.s32 @!p1 $0x0  }
0x14: {  	s2 =	sld [smem:$0x3F98];
	s0 =	simm.s32 @p1 $0x1  }
0x15: {  	[smem:$0x3FB5] =	sst s0;
	s0 =	simm.s32 @!p2 $0x0  }
0x16: {  	s3 =	sld [smem:$0x3FDB];
	s0 =	simm.s32 @p2 $0x1  }
0x17: {  	s4 =	simm.s32 $0x1BF5;
	[smem:$0x3FB7] =	sst s0  }
0x18: {  	s0 =	sld [smem:$0x3F9A];
	_ =	swait.ge [sflag:s4], $0x0  }
0x19: {  	s7 =	sld [smem:$0x3F9B]  }
0x1a: {  	s8 =	sadd.s32 $0xFFFFE003, lr  }
0x1b: {  	s9 =	sadd.s32 $0xFFFFFEF7, lr;
	s5 =	simm.s32 $0xFFFFFFFF;
	p2 =	slt.u32 s8, $0xFFFFF086  }
0x1c: {  	p1 =	slt.u32 s9, $0xF7A;
	s5 =	simm.s32 @!p2 $0x0  }
0x1d: {  	s5 =	simm.s32 @p1 $0x1;
	p0 =	seq.s32 s7, s2  }
0x1e: {  	s7 =	smul.u32 @!p0 $0xF7A, s2;
	p2 =	seq.s32 @!p0 s5, $0x0  }
0x1f: {  	s9 =	smul.u32 $0xF7A, s1;
	s8 =	simm.s32 @!p0 $0x1BF5;
	p2 =	por !p2, p0  }
0x20: {  	[sflag:s8] =	ssyncset.s32 @!p0 $0xFFFFF086;
	s6 =	sadd.s32 @!p0 s3, s7;
	s7 =	simm.s32 @!p0 $0x108  }
0x21: {  	s3 =	sadd.s32 s3, s9;
	s6 =	sadd.s32 @!p0 $0x88, s6;
	s7 =	simm.s32 @p2 $0x1082  }
0x22: {  	[simem:s7], [sflag:s8] =	dma.local @!p0 [hbm:s6], $0xF7A  }
0x23: {  	s9 =	sor.u32 $0xD0000000, s2;
	s6 =	simm.s32 $0x108;
	_ =	swait.ge @!p0 [sflag:s8], $0x0  }
0x24: {  	s3 =	sadd.s32 $0x88, s3;
	s6 =	simm.s32 @!p1 $0x1082;
	[sflag:s4] =	ssyncset.s32 $0xFFFFF086  }
0x25: {  	[simem:s6], [sflag:s4] =	dma.local [hbm:s3], $0xF7A  }
0x26: {  	[smem:$0x3F9B] =	sst s1;
	(tag) =	ssettag s2;
	_ =	strace s9  }
0x27: {  	s1 =	sld [smem:$0x3FAB]  }
0x28: {  	s2 =	sld [smem:$0x3FAC]  }
0x29: {  	s4 =	sld [smem:$0x3FAE]  }
0x2a: {  	p0 =	seq.s32 s5, $0x0;
	s5 =	sld [smem:$0x3FAF]  }
0x2b: {  	s6 =	sld [smem:$0x3FB0]  }
0x2c: {  	s7 =	sld [smem:$0x3FB1]  }
0x2d: {  	s3 =	simm.s32 $0x108;
	s8 =	sld [smem:$0x3FB2]  }
0x2e: {  	s3 =	simm.s32 @!p0 $0x1082;
	s9 =	sld [smem:$0x3FB3]  }
0x2f: {  	lr =	sadd.s32 s0, s3;
	s0 =	sld [smem:$0x3FAA]  }
0x30: {  	s3 =	sld [smem:$0x3FAD]  }
0x31: {  	[smem:$0x3FB6] =	sst s10  }
0x32: {  	s10 =	sld [smem:$0x3FB4];
	_ =	sdelay $0x3  }
0x33: {  	p0 =	seq.s32 s10, $0x1;
	s10 =	sld [smem:$0x3FB6];
	_ =	sdelay $0x3  }
0x34: {  	[smem:$0x3FB6] =	sst s10  }
0x35: {  	s10 =	sld [smem:$0x3FB5];
	_ =	sdelay $0x3  }
0x36: {  	p1 =	seq.s32 s10, $0x1;
	s10 =	sld [smem:$0x3FB6];
	_ =	sdelay $0x3  }
0x37: {  	[smem:$0x3FB6] =	sst s10  }
0x38: {  	s10 =	sld [smem:$0x3FB7]  }
0x39: {  	_ = 	snop;
	(pc) =	sbr.ind lr, $3  }
0x3a: {  	_ = 	snop  }
0x3b: {  	_ = 	snop  }
0x3c: {  	p2 =	seq.s32 s10, $0x1;
	s10 =	sld [smem:$0x3FB6]  }
0x3d: {  	_ =	shalt  }
0x3e: {  	_ =	shalt  }
0x3f: {  	_ =	shalt  }
0x40: {  	_ =	shalt  }
0x41: {  	_ =	shalt  }
0x42: {  	_ =	shalt  }
0x43: {  	_ =	shalt  }
0x44: {  	_ =	shalt  }
0x45: {  	_ =	shalt  }
0x46: {  	_ =	shalt  }
0x47: {  	_ =	shalt  }
0x48: {  	_ =	shalt  }
0x49: {  	_ =	shalt  }
0x4a: {  	_ =	shalt  }
0x4b: {  	_ =	shalt  }
0x4c: {  	_ =	shalt  }
0x4d: {  	_ =	shalt  }
0x4e: {  	_ =	shalt  }
0x4f: {  	_ =	shalt  }
0x50: {  	_ =	shalt  }
0x51: {  	_ =	shalt  }
0x52: {  	_ =	shalt  }
0x53: {  	_ =	shalt  }
0x54: {  	_ =	shalt  }
0x55: {  	_ =	shalt  }
0x56: {  	_ =	shalt  }
0x57: {  	_ =	shalt  }
0x58: {  	_ =	shalt  }
0x59: {  	_ =	shalt  }
0x5a: {  	_ =	shalt  }
0x5b: {  	_ =	shalt  }
0x5c: {  	_ =	shalt  }
0x5d: {  	_ =	shalt  }
0x5e: {  	_ =	shalt  }
0x5f: {  	_ =	shalt  }
0x60: {  	_ =	shalt  }
0x61: {  	_ =	shalt  }
0x62: {  	_ =	shalt  }
0x63: {  	_ =	shalt  }
0x64: {  	_ =	shalt  }
0x65: {  	_ =	shalt  }
0x66: {  	_ =	shalt  }
0x67: {  	_ =	shalt  }
0x68: {  	_ =	shalt  }
0x69: {  	_ =	shalt  }
0x6a: {  	_ =	shalt  }
0x6b: {  	_ =	shalt  }
0x6c: {  	_ =	shalt  }
0x6d: {  	_ =	shalt  }
0x6e: {  	_ =	shalt  }
0x6f: {  	_ =	shalt  }
0x70: {  	_ =	shalt  }
0x71: {  	_ =	shalt  }
0x72: {  	_ =	shalt  }
0x73: {  	_ =	shalt  }
0x74: {  	_ =	shalt  }
0x75: {  	_ =	shalt  }
0x76: {  	_ =	shalt  }
0x77: {  	_ =	shalt  }
0x78: {  	_ =	shalt  }
0x79: {  	_ =	shalt  }
0x7a: {  	_ =	shalt  }
0x7b: {  	_ =	shalt  }
0x7c: {  	_ =	shalt  }
0x7d: {  	_ =	shalt  }
0x7e: {  	_ =	shalt  }
0x7f: {  	_ =	shalt  }
0x80: {  	_ =	shalt  }
0x81: {  	_ =	shalt  }
0x82: {  	_ =	shalt  }
0x83: {  	_ =	shalt  }
0x84: {  	_ =	shalt  }
0x85: {  	_ =	shalt  }
0x86: {  	_ =	shalt  }
0x87: {  	_ =	shalt  }
.Lfunc_end0:
.L_simem_size_0:
called_computation_lowered:
.L_overlay_start_0:
0x88: {  	s2 =	sld [smem:$0x3FD9]  }
0x89: {  	s3 =	sld [smem:$0x3FFE];
	_ =	sdelay $0x1  }
0x8a: {  	s1 =	srdreg.scid  }
0x8b: {  	s0 =	sand.u32 $0x1, s1  }
0x8c: {  	s17 =	sshll.u32 s0, $0xA;
	s2 =	sadd.s32 s3, s2  }
0x8d: {  	s2 =	sadd.s32 s2, s17  }
0x8e: {  	[smem:$0x3FC2] =	sst s2  }
0x8f: {  	_ = 	snop  }
0x90: {  	s2 =	sld [smem:$0x3FD0];
	(tm) =	ssettm $0x1  }
0x91: {  	s18 =	sld [smem:$0x3FFB];
	_ =	sdelay $0x3  }
0x92: {  	_ =	strace s18  }
0x93: {  	s3 =	sld [smem:$0x3FFC];
	_ =	sdelay $0x3  }
0x94: {  	_ =	strace s3  }
0x95: {  	s3 =	sld [smem:$0x3FFD];
	_ =	sdelay $0x3  }
0x96: {  	_ =	strace s3  }
0x97: {  	_ =	strace $0x8FFFFFFF  }
0x98: {  	s19 =	sld [smem:$0x3FDB];
	_ =	sdelay $0x1  }
0x99: {  	s4 =	simm.s32 $_scs_section_size  }
0x9a: {  	s5 =	simm.s32 $_size__tile_overlayer_lowered;
	s6 =	simm.s32 $_tile_overlayer_lowered  }
0x9b: {  	s22 =	simm.s32 $0x1BFF;
	s21 =	sshll.u32 s6, $0x1;
	s3 =	sadd.s32 s4, s19  }
0x9c: {  	s7 =	simm.s32 $0x0;
	s20 =	sshll.u32 s5, $0x1;
	s5 =	sadd.s32 s21, s3  }
0x9d: {  	[timem:s7], [sflag:s22] =	dma.local [hbm:s5], s20  }
0x9e: {  	_ =	swait.ge [sflag:s22], s20  }
0x9f: {  	s4 =	ssub.s32 $0x0, s20;
	[sflag:s22] =	ssyncset.done $0x0  }
0xa0: {  	[sflag:s22] =	ssyncadd.s32 s4;
	_ =	sdelay $0x1  }
0xa1: {  	s23 =	simm.s32 $0x1B8B  }
0xa2: {  	_ =	swait.ge [sflag:s23], $0x1  }
0xa3: {  	[sflag:s23] =	ssyncset.done $0x0  }
0xa4: {  	s25 =	simm.s32 $0x1B8E;
	s24 =	sld [smem:$0x3FFE];
	[sflag:s23] =	ssyncadd.s32 $0xFFFFFFFF  }
0xa5: {  	s26 =	simm.s32 $execute0_lowered;
	[smem:$0x3FD2] =	sst s25  }
0xa6: {  	s5 =	sshll.u32 s26, $0x1;
	_ =	strace $0x80000046;
	[dreg:$0x1] =	wrdreg $0xFFFFFFFF  }
0xa7: {  	s28 =	simm.s32 $_size_execute0_lowered;
	s3 =	sadd.s32 s3, s5;
	[dreg:$0x0] =	wrdreg $0x0  }
0xa8: {  	s5 =	sshll.u32 s28, $0x1;
	[dreg:$0x2] =	wrdreg s3  }
0xa9: {  	[dreg:$0x3] =	wrdreg s5  }
0xaa: {  	[dreg:$0x4] =	wrdreg $0xC0  }
0xab: {  	_ =	task [dreg:s7], $0x5FFFF  }
0xac: {  	[dreg:$0x1] =	wrdreg $0xFFFFFFFF  }
0xad: {  	[dreg:$0x0] =	wrdreg $0x60  }
0xae: {  	[dreg:$0x2] =	wrdreg s24  }
0xaf: {  	[dreg:$0x3] =	wrdreg s2  }
0xb0: {  	[dreg:$0x4] =	wrdreg $0x9  }
0xb1: {  	_ =	task.clear_ibuf [dreg:s7], $0x5FFFF;
	_ =	strace $0x90000046  }
0xb2: {  	s29 =	simm.s32 $0x9;
	_ =	strace $0x80000048  }
0xb3: {  	_ =	swait.ge [sflag:s29], $0x1  }
0xb4: {  	[sflag:s29] =	ssyncadd.s32 $0xFFFFFFFF  }
0xb5: {  	_ =	strace $0x90000048  }
0xb6: {  	_ =	sfence  }
0xb7: {  	s30 =	sld [smem:$0x0];
	_ =	sdelay $0x2  }
0xb8: {  	s31 =	sshll.u32 s1, $0xD;
	s1 =	sshrl.u32 s1, $0x2  }
0xb9: {  	s3 =	sand.u32 $0x4000, s31;
	s1 =	sadd.s32 s1, s30  }
0xba: {  	s0 =	sor.u32 s3, s0;
	s1 =	sshll.u32 s1, $0x11  }
0xbb: {  	s0 =	sor.u32 s1, s0  }
0xbc: {  	s0 =	sadd.s32 $0x8F2B, s0  }
0xbd: {  	[sflag:s0] =	ssyncadd.remote.s32 $0x1  }
0xbe: {  	_ =	sfence.sel $0xFFFF  }
0xbf: {  	[dreg:$0x0] =	wrdreg $0xFFFFFFFF;
	(pc) =	sbr.abs _section_cstart, $3  }
0xc0: {  	[dreg:$0x1] =	wrdreg $0xFFFFFFFF  }
0xc1: {  	_ =	task.clear_ibuf [dreg:s7], $0x2FFFF;
	_ =	strace $0x9FFFFFFF  }
0xc2: {  	(tm) =	ssettm $0x7FFFFFFF  }
0xc3: {  	_ =	shalt  }
tec
execute0_lowered:
.L_overlay_start_1:
0x0: {  	(tag) =	ssettag $0x1  }
0x1: {  	s5 =	rddreg [dreg:$0x0]  }
0x2: {  	s8 =	rddreg [dreg:$0x1]  }
0x3: {  	s0 =	rddreg [dreg:$0x2];
	s2 =	simm.s32 $0x0;
	s3 =	srdreg.scid  }
0x4: {  	s1 =	stileid.u32;
	s13 =	simm.s32 $0x4F00;
	s14 =	simm.s32 $0x6300  }
0x5: {  	s15 =	simm.s32 $0x7700;
	s16 =	simm.s32 $0x9F00;
	s17 =	simm.s32 $0x80  }
0x6: {  	s18 =	simm.s32 $0x400;
	s19 =	simm.s32 $0xC680;
	s20 =	simm.s32 $0x0  }
0x7: {  	[smem:$0x7FF] =	sst s2;
	s6 =	sand.u32 $0x1, s3;
	s30 =	sshll.u32 s1, $0x1  }
0x8: {  	s3 =	sadd.s32 $0x10600, s5;
	s7 =	sshrl.u32 s1, $0x2;
	_ =	strace $0x80000047  }
0x9: {  	s4 =	sor.u32 s6, s30;
	s11 =	sshll.u32 s7, $0xA;
	s7 =	smul.u32 $0x13C00, s7  }
0xa: {  	s6 =	ssub.s32 $0x2, s6;
	s9 =	sshll.u32 s4, $0x7;
	s10 =	smul.u32 $0x271, s4  }
0xb: {  	s4 =	sadd.s32 $0x10C00, s5;
	s31 =	sshrl.u32 s6, $0x1;
	s9 =	sand.u32 $0x380, s9  }
0xc: {  	s12 =	ssub.s32 s6, s31;
	s11 =	sor.u32 s11, s9;
	s7 =	sor.u32 s7, s9  }
0xd: {  	s10 =	sadd.s32 s10, s5;
	s11 =	sshrl.u32 s11, $0x3;
	s9 =	sshrl.u32 s7, $0x3  }
0xe: {  	s6 =	sadd.s32 $0x1600, s10;
	s7 =	sadd.s32 $0xB600, s10;
	s11 =	sadd.s32 s11, s5  }
0xf: {  	s5 =	sadd.s32 $0x6600, s10;
	s8 =	sadd.s32 s8, s9;
	s10 =	smax.u32 s12, $0x1  }
0x10: {  	vm0 =	vmmov $0xff;
	v0 =	vimm.f32 $0.0e+00;
	s12 =	simm.s32 $0x2780;
	s9 =	sadd.s32 $0x11200, s11;
	s11 =	simm.s32 $0x1  }
.LBB2_1:
0x11: {  	[tilespmem:s2], [sflag:$0x1] =	stream.linear.gather [hbm4b:s3+s2], $0x2780, $0x38;
	[tilespmem:$0xC700] =	vst v63  }
0x12: {  	_ =	swait.ge [sflag:s11], $0x2780  }
0x13: {  	[sflag:s11] =	ssyncset.done $0x0  }
0x14: {  	[sflag:s11] =	ssyncadd.s32 $0xFFFFD880  }
0x15: {  	[tilespmem:s12], [sflag:$0x1] =	stream.linear.gather [hbm4b:s4+s2], $0x2780, $0x38;
	[tilespmem:$0xC700] =	vst v63  }
0x16: {  	_ =	swait.ge [sflag:s11], $0x2780  }
0x17: {  	[sflag:s11] =	ssyncset.done $0x0  }
0x18: {  	[sflag:s11] =	ssyncadd.s32 $0xFFFFD880  }
0x19: {  	[tilespmem:s13], [sflag:$0x1] =	stream.linear.gather [hbm4b:s5+s2], $0x1388, $0x38;
	[tilespmem:$0xC700] =	vst v63  }
0x1a: {  	_ =	swait.ge [sflag:s11], $0x1388  }
0x1b: {  	[sflag:s11] =	ssyncset.done $0x0  }
0x1c: {  	[sflag:s11] =	ssyncadd.s32 $0xFFFFEC78  }
0x1d: {  	[tilespmem:s14], [sflag:$0x1] =	stream.linear.gather [hbm4b:s6+s2], $0x1388, $0x38;
	[tilespmem:$0xC700] =	vst v63  }
0x1e: {  	_ =	swait.ge [sflag:s11], $0x1388  }
0x1f: {  	[sflag:s11] =	ssyncset.done $0x0  }
0x20: {  	[sflag:s11] =	ssyncadd.s32 $0xFFFFEC78  }
0x21: {  	[tilespmem:s15], [sflag:$0x1] =	stream.linear.gather [hbm4b:s7+s2], $0x1388, $0x38;
	[tilespmem:$0xC700] =	vst v63  }
0x22: {  	_ =	swait.ge [sflag:s11], $0x1388  }
0x23: {  	[sflag:s11] =	ssyncset.done $0x0  }
0x24: {  	s21 =	simm.s32 $0x0;
	[sflag:s11] =	ssyncadd.s32 $0xFFFFEC78  }
0x25: {  	v1 =	vld [tilespmem:s21+$0x4F00]  }
0x26: {  	v2 =	vld [tilespmem:s21+$0x6300];
	_ =	sdelay $0x6  }
0x27: {  	v1 =	vld.idx.msk [tilespmem:v1+s2+$0x0], $0xffff  }
0x28: {  	v2 =	vld.idx.msk [tilespmem:v2+s12+$0x0], $0xffff;
	_ =	sdelay $0x1  }
0x29: {  	v3 =	vld [tilespmem:s21+$0x7700];
	_ =	sdelay $0x2  }
0x2a: {  	v1 =	vadd.f32 v2, v1;
	v2 =	vld [tilespmem:s21+$0x4F10]  }
0x2b: {  	v4 =	vld [tilespmem:s21+$0x6310]  }
0x2c: {  	v1 =	vadd.f32 v3, v1;
	_ =	sdelay $0x1  }
0x2d: {  	v3 =	vmul.f32 $2.000000030e-01, v1  }
0x2e: {  	vm1 =	vge.f32 v1, $0.0e+00  }
0x2f: {  	v1 =	vsel vm1, v1, v3  }
0x30: {  	[tilespmem:s21+$0x8B00] =	vst v1  }
0x31: {  	v2 =	vld.idx.msk [tilespmem:v2+s2+$0x0], $0xffff  }
0x32: {  	v3 =	vld.idx.msk [tilespmem:v4+s12+$0x0], $0xffff;
	_ =	sdelay $0x1  }
0x33: {  	v4 =	vld [tilespmem:s21+$0x7710];
	_ =	sdelay $0x2  }
0x34: {  	v2 =	vadd.f32 v3, v2  }
0x35: {  	s23 =	simm.s32 $0x20  }
0x36: {  	v4 =	vadd.f32 v4, v2;
	v2 =	vld [tilespmem:s23+$0x4F00]  }
0x37: {  	v3 =	vld [tilespmem:s23+$0x6300];
	_ =	sdelay $0x1  }
0x38: {  	v5 =	vimm.f32 $-3.000000010e+38  }
0x39: {  	s22 =	simm.s32 $0x100;
	v1 =	vmax.f32 v5, v1;
	vm1 =	vge.f32 v4, $0.0e+00;
	v5 =	vmul.f32 $2.000000030e-01, v4  }
.LBB2_2:
0x3a: {  	p0 =	sne.s32 s22, $0x4D80;
	s24 =	smov.u32 s22;
	s22 =	sadd.s32 $0x80, s22  }
0x3b: {  	v4 =	vsel vm1, v4, v5  }
0x3c: {  	[tilespmem:s21+$0x8B10] =	vst v4;
	v1 =	vmax.f32 v1, v4;
	s21 =	smov.u32 s23  }
0x3d: {  	v2 =	vld.idx.msk [tilespmem:v2+s2+$0x0], $0xffff  }
0x3e: {  	v3 =	vld.idx.msk [tilespmem:v3+s12+$0x0], $0xffff;
	_ =	sdelay $0x1  }
0x3f: {  	v4 =	vld [tilespmem:s21+$0x7700];
	_ =	sdelay $0x2  }
0x40: {  	v5 =	vld [tilespmem:s21+$0x6310]  }
0x41: {  	v2 =	vadd.f32 v3, v2;
	v3 =	vld [tilespmem:s21+$0x4F10];
	_ =	sdelay $0x1  }
0x42: {  	v2 =	vadd.f32 v4, v2;
	_ =	sdelay $0x1  }
0x43: {  	vm1 =	vge.f32 v2, $0.0e+00;
	v4 =	vmul.f32 $2.000000030e-01, v2;
	_ =	sdelay $0x1  }
0x44: {  	v6 =	vsel vm1, v2, v4  }
0x45: {  	[tilespmem:s21+$0x8B00] =	vst v6  }
0x46: {  	v3 =	vld.idx.msk [tilespmem:v3+s2+$0x0], $0xffff  }
0x47: {  	v4 =	vld.idx.msk [tilespmem:v5+s12+$0x0], $0xffff  }
0x48: {  	v5 =	vld [tilespmem:s21+$0x7710];
	_ =	sdelay $0x3  }
0x49: {  	s23 =	sshra.s32 s24, $0x2  }
.Ltmp0:
0x4a: {  	v4 =	vadd.f32 v4, v3;
	v2 =	vld [tilespmem:s23+$0x4F00];
	(pc) =	sbr.rel @p0 .LBB2_2-.Ltmp0, $3  }
0x4b: {  	v3 =	vld [tilespmem:s23+$0x6300]  }
0x4c: {  	v4 =	vadd.f32 v5, v4;
	_ =	sdelay $0x1  }
0x4d: {  	v1 =	vmax.f32 v1, v6;
	vm1 =	vge.f32 v4, $0.0e+00;
	v5 =	vmul.f32 $2.000000030e-01, v4  }
0x4e: {  	_ =	sdelay $0x1  }
0x4f: {  	v4 =	vsel vm1, v4, v5  }
0x50: {  	[tilespmem:s21+$0x8B10] =	vst v4  }
0x51: {  	v2 =	vld.idx.msk [tilespmem:v2+s2+$0x0], $0xffff  }
0x52: {  	v3 =	vld.idx.msk [tilespmem:v3+s12+$0x0], $0xffff;
	_ =	sdelay $0x1  }
0x53: {  	v57 =	vld [tilespmem:s23+$0x7700];
	_ =	sdelay $0x2  }
0x54: {  	v2 =	vadd.f32 v3, v2;
	v3 =	vld [tilespmem:s23+$0x4F10]  }
0x55: {  	v6 =	vld [tilespmem:s23+$0x6310]  }
0x56: {  	v2 =	vadd.f32 v57, v2;
	_ =	sdelay $0x1  }
0x57: {  	v5 =	vmul.f32 $2.000000030e-01, v2  }
0x58: {  	vm1 =	vge.f32 v2, $0.0e+00  }
0x59: {  	v2 =	vsel vm1, v2, v5  }
0x5a: {  	[tilespmem:s23+$0x8B00] =	vst v2  }
0x5b: {  	v3 =	vld.idx.msk [tilespmem:v3+s2+$0x0], $0xffff  }
0x5c: {  	v58 =	vld.idx.msk [tilespmem:v6+s12+$0x0], $0xffff;
	_ =	sdelay $0x1  }
0x5d: {  	v59 =	vld [tilespmem:s23+$0x7710];
	_ =	sdelay $0x2  }
0x5e: {  	v3 =	vadd.f32 v58, v3;
	_ =	sdelay $0x1  }
0x5f: {  	v3 =	vadd.f32 v59, v3;
	_ =	sdelay $0x1  }
0x60: {  	v60 =	vmul.f32 $2.000000030e-01, v3  }
0x61: {  	vm1 =	vge.f32 v3, $0.0e+00  }
0x62: {  	v3 =	vsel vm1, v3, v60  }
0x63: {  	[tilespmem:s23+$0x8B10] =	vst v3  }
0x64: {  	v61 =	vld [tilespmem:$0x6280]  }
0x65: {  	v62 =	vld [tilespmem:$0x7680];
	_ =	sdelay $0x3  }
0x66: {  	v5 =	vnsel vm0, $0x0, v61  }
0x67: {  	v6 =	vnsel vm0, $0x0, v62;
	_ =	sdelay $0x2  }
0x68: {  	s31 =	simm.s32 $0x0  }
0x69: {  	v7 =	vld.idx.msk [tilespmem:v5+s31+$0x0], $0xff  }
0x6a: {  	v6 =	vld.idx.msk [tilespmem:v6+s12+$0x0], $0xff  }
0x6b: {  	v8 =	vld [tilespmem:$0x8A80];
	_ =	sdelay $0x3  }
0x6c: {  	v6 =	vadd.f32 v6, v7  }
0x6d: {  	v63 =	vnsel vm0, $0x0, v8  }
0x6e: {  	v6 =	vadd.f32 v63, v6;
	_ =	sdelay $0x1  }
0x6f: {  	v7 =	vmul.f32 $2.000000030e-01, v6  }
0x70: {  	v1 =	vmax.f32 v1, v4;
	vm1 =	vge.f32 v6, $0.0e+00  }
0x71: {  	v1 =	vmax.f32 v1, v2;
	v2 =	vsel vm1, v6, v7  }
0x72: {  	v1 =	vmax.f32 v1, v3;
	v2 =	vnsel vm0, $0xFF61B1E6, v2  }
0x73: {  	v1 =	vmax.f32 v1, v2  }
0x74: {  	(xrf0) =	vmax.scan.msk.f32 $0xffff, v1;
	_ =	sdelay $0x5  }
0x75: {  	v1, _, _ =	vpop (xrf0)  }
0x76: {  	[tilespmem:$0x6280] =	vst v5;
	v1 =	vbroadcast v1, $0xF  }
0x77: {  	[tilespmem:$0x9E80] =	vst v2  }
0x78: {  	s22 =	simm.s32 $0x0;
	s21 =	simm.s32 $0x40;
	[tilespmem:$0xC680] =	vst v1  }
.LBB2_4:
0x79: {  	p0 =	sne.s32 s21, $0x9C00;
	[tilespmem:s22+$0x9F00] =	vst v0;
	s22 =	smov.u32 s21;
	s21 =	sadd.s32 $0x40, s21  }
.Ltmp1:
0x7a: {  	(pc) =	sbr.rel @p0 .LBB2_4-.Ltmp1, $2  }
0x7b: {  	_ =	sdelay $0x2  }
0x7c: {  	s22 =	sshra.s32 s22, $0x2  }
0x7d: {  	[tilespmem:s22+$0x9F00] =	vst v0;
	s22 =	simm.s32 $0x0;
	s21 =	simm.s32 $0x40  }
.LBB2_6:
0x7e: {  	p0 =	sne.s32 s21, $0x4E00;
	v2 =	vld [tilespmem:s22+$0x8B00];
	_ =	sdelay $0x4  }
0x7f: {  	v2 =	vsub.f32 v2, v1;
	_ =	sdelay $0x1  }
0x80: {  	v2 =	vmul.f32 $1.442695020e+00, v2;
	_ =	sdelay $0x1  }
0x81: {  	(erf) = vpow2.f32 v2;
	_ =	sdelay $0x1  }
0x82: {  	v2 =	vld [tilespmem:s22+$0x4F00];
	_ =	sdelay $0x3  }
.Ltmp2:
0x83: {  	(pc) =	sbr.rel @p0 .LBB2_6-.Ltmp2, $3  }
0x84: {  	_ =	sdelay $0x1  }
0x85: {  	v3 =	vpop (erf)  }
0x86: {  	s22 =	sshra.s32 s21, $0x2;
	s21 =	sadd.s32 $0x40, s21;
	[tilespmem:v2+s16+$0x0] =	vst.idx.add.f32.msk $0xffff, v3  }
0x87: {  	v2 =	vld [tilespmem:s22+$0x8B00];
	_ =	sdelay $0x4  }
0x88: {  	v1 =	vsub.f32 v2, v1;
	_ =	sdelay $0x1  }
0x89: {  	v1 =	vmul.f32 $1.442695020e+00, v1;
	_ =	sdelay $0x1  }
0x8a: {  	(erf) = vpow2.f32 v1;
	_ =	sdelay $0x1  }
0x8b: {  	v1 =	vld [tilespmem:s22+$0x4F00];
	_ =	sdelay $0x6  }
0x8c: {  	v2 =	vpop (erf)  }
0x8d: {  	[tilespmem:v1+s16+$0x0] =	vst.idx.add.f32.msk $0xffff, v2  }
0x8e: {  	[hbm4b:s8+s17] =	stream.strided.scatter [tilespmem:s16], [sflag:$0x1], $0x2780, s18, s17, $0x38;
	[tilespmem:$0xC700] =	vst v63  }
0x8f: {  	s20 =	sadd.s32 $0x1, s20;
	_ =	swait.ge [sflag:s11], $0x2780  }
0x90: {  	p0 =	sne.s32 s20, s10;
	[sflag:s11] =	ssyncset.done $0x0  }
.Ltmp3:
0x91: {  	[sflag:s11] =	ssyncadd.s32 $0xFFFFD880;
	(pc) =	sbr.rel @p0 .LBB2_1-.Ltmp3, $4  }
0x92: {  	[hbm4b:s9+s2] =	stream.linear.scatter [tilespmem:s19], [sflag:$0x1], $0x80, $0x38;
	[tilespmem:$0xC700] =	vst v63  }
0x93: {  	_ =	swait.ge [sflag:s11], $0x80  }
0x94: {  	[sflag:s11] =	ssyncset.done $0x0  }
0x95: {  	[sflag:s11] =	ssyncadd.s32 $0xFFFFFF80  }
0x96: {  	_ =	sfence.sel $0x180000  }
0x97: {  	[bflag:$0x0] =	sbarrier.arrive $0xFFFF  }
0x98: {  	p0 =	sne.s32 s1, $0x0;
	_ =	strace $0x90000047  }
0x99: {  	s0 =	sadd.s32 @!p0 $0x100000, s0;
	[bflag:$0x2] =	sbarrier.arrive $0xFFFF  }
0x9a: {  	[sflag:s0] =	ssyncadd.tile.s32 @!p0 $0x1;
	_ =	shalt  }
.Lfunc_end2:
_tile_overlayer_lowered:
.L_overlay_start_2:
0x9b: {  	(tag) =	ssettag $0x2  }
0x9c: {  	s0 =	rddreg [dreg:$0x0];
	s2 =	stileid.u32  }
0x9d: {  	s1 =	rddreg [dreg:$0x1];
	p0 =	sne.s32 s2, $0x0  }
0x9e: {  	s3 =	rddreg [dreg:$0x2];
	[bflag:$0x3] =	sbarrier.arrive $0xFFFF;
	s2 =	simm.s32 @!p0 $0x1C01  }
0x9f: {  	[timem:s3], [sflag:s2] =	dma.local @!p0 [hbm:s0], s1  }
0xa0: {  	s0 =	simm.s32 @!p0 $0x1  }
0xa1: {  	_ =	swait.ge @!p0 [sflag:s0], s1  }
0xa2: {  	s1 =	ssub.s32 @!p0 $0x0, s1;
	[sflag:s0] =	ssyncset.done @!p0 $0x0  }
0xa3: {  	[sflag:s0] =	ssyncadd.s32 @!p0 s1  }
0xa4: {  	[bflag:$0x3] =	sbarrier.arrive $0xFFFF  }
0xa5: {  	_ =	shalt  }

</sc_bundles>
